<compile_context>
chip_gen: v7x
topology: tpu7x:2x2x1
jax: 0.10.2.dev20260603
libtpu: 0.0.44.dev20260713+nightly
codegen_flags: <defaults>
</compile_context>

<pallas_src>
import functools

import jax
import jax.numpy as jnp
from jax import lax
from jax.experimental import pallas as pl
from jax.experimental.pallas import tpu as pltpu
from jax.experimental.pallas import tpu_sc as plsc

N_TOTAL = 8388608
NUM_CLASSES = 2
BETA = 0.99

NC = 2
NS = 16
NW = NC * NS
LANES = 16
UNROLL = 4
CHUNK = 32768
NBUF = 2

N_SC = 2 * NW * CHUNK
PER_W = N_SC // NW
NCH = PER_W // CHUNK

N_TC = N_TOTAL - N_SC
TC_COLS = 128
TC_ROWS = N_TC // TC_COLS
TC_BLOCK_ROWS = 16384
TC_GRID = TC_ROWS // TC_BLOCK_ROWS
TC_BLOCK_OFF = N_SC // (TC_COLS * TC_BLOCK_ROWS)


def _sc_partial_sums_body(y_hbm, part_hbm, buf0, buf1, acc_v, sem0, sem1):
    c = lax.axis_index("c")
    s = lax.axis_index("s")
    wid = s * NC + c
    base = wid * PER_W

    bufs = (buf0, buf1)
    sems = (sem0, sem1)

    for b in range(min(NBUF, NCH)):
        pltpu.make_async_copy(
            y_hbm.at[pl.ds(base + b * CHUNK, CHUNK)], bufs[b], sems[b]
        ).start()

    accs = tuple(jnp.zeros((LANES,), jnp.int32) for _ in range(UNROLL))

    for i in range(NCH):
        slot = i % NBUF
        pltpu.make_async_copy(
            y_hbm.at[pl.ds(base + i * CHUNK, CHUNK)], bufs[slot], sems[slot]
        ).wait()
        bref = bufs[slot]

        def body(j, accs, bref=bref):
            off = j * (LANES * UNROLL)
            return tuple(
                a + bref[pl.ds(off + k * LANES, LANES)]
                for k, a in enumerate(accs)
            )

        accs = plsc.parallel_loop(
            0, CHUNK // (LANES * UNROLL), 1, unroll=4, carry=accs
        )(body)

        nxt = i + NBUF
        if nxt < NCH:
            pltpu.make_async_copy(
                y_hbm.at[pl.ds(base + nxt * CHUNK, CHUNK)], bufs[slot], sems[slot]
            ).start()

    acc = accs[0]
    for a in accs[1:]:
        acc = acc + a
    acc_v[...] = acc
    pltpu.sync_copy(acc_v, part_hbm.at[pl.ds(wid * LANES, LANES)])


@functools.cache
def _sc_partial_sums():
    return pl.kernel(
        _sc_partial_sums_body,
        out_type=jax.ShapeDtypeStruct((NW * LANES,), jnp.int32),
        mesh=plsc.VectorSubcoreMesh(
            core_axis_name="c", subcore_axis_name="s", num_cores=NC, num_subcores=NS
        ),
        scratch_types=[
            pltpu.VMEM((CHUNK,), jnp.int32),
            pltpu.VMEM((CHUNK,), jnp.int32),
            pltpu.VMEM((LANES,), jnp.int32),
            pltpu.SemaphoreType.DMA,
            pltpu.SemaphoreType.DMA,
        ],
    )


def _tc_reduce_body(y_ref, acc_ref):
    i = pl.program_id(0)

    @pl.when(i == 0)
    def _():
        acc_ref[...] = jnp.zeros_like(acc_ref)

    b = y_ref[...].reshape(4, TC_BLOCK_ROWS // 32, 8, TC_COLS)
    acc_ref[...] += (
        (jnp.sum(b[0], axis=0) + jnp.sum(b[1], axis=0))
        + (jnp.sum(b[2], axis=0) + jnp.sum(b[3], axis=0))
    )


_tc_reduce = pl.pallas_call(
    _tc_reduce_body,
    grid=(TC_GRID,),
    in_specs=[pl.BlockSpec((TC_BLOCK_ROWS, TC_COLS), lambda i: (TC_BLOCK_OFF + i, 0))],
    out_specs=pl.BlockSpec(memory_space=pltpu.VMEM),
    out_shape=jax.ShapeDtypeStruct((8, TC_COLS), jnp.int32),
)


def _tc_finalize_body(part_ref, tcsum_ref, counts_ref, nc_ref, w_ref):
    total_pos = (jnp.sum(part_ref[...]) + jnp.sum(tcsum_ref[...])).astype(jnp.float32)
    neg = jnp.float32(N_TOTAL) - total_pos
    c0 = counts_ref[0]
    c1 = counts_ref[1]
    n0 = BETA * c0 + (1.0 - BETA) * neg
    n1 = BETA * c1 + (1.0 - BETA) * total_pos
    s0 = n0 + 1.0
    s1 = n1 + 1.0
    tot = s0 + s1
    w0 = tot / (NUM_CLASSES * s0)
    w1 = tot / (NUM_CLASSES * s1)
    wm = (w0 + w1) * 0.5
    w0n = w0 / (wm + 1e-8)
    w1n = w1 / (wm + 1e-8)
    nc_ref[0] = n0
    nc_ref[1] = n1
    w_ref[0] = w0n
    w_ref[1] = w1n


_tc_finalize = pl.pallas_call(
    _tc_finalize_body,
    out_shape=(
        jax.ShapeDtypeStruct((NUM_CLASSES,), jnp.float32),
        jax.ShapeDtypeStruct((NUM_CLASSES,), jnp.float32),
    ),
    in_specs=[
        pl.BlockSpec(memory_space=pltpu.VMEM),
        pl.BlockSpec(memory_space=pltpu.VMEM),
        pl.BlockSpec(memory_space=pltpu.SMEM),
    ],
    out_specs=(
        pl.BlockSpec(memory_space=pltpu.SMEM),
        pl.BlockSpec(memory_space=pltpu.SMEM),
    ),
)


@jax.jit
def kernel(y, counts):
    y = y.astype(jnp.int32)
    part_sc = _sc_partial_sums()(y)
    tc_sum = _tc_reduce(y.reshape(N_TOTAL // TC_COLS, TC_COLS))
    new_counts, weights = _tc_finalize(part_sc.reshape(4, 128), tc_sum, counts)
    return new_counts, weights

# --- scband reference (transcript-rebuilt; emitter-appended) ---
"""Pipeline reference for scband-dynamic-class-balancer-6167573037270 (READ-ONLY COPY).

The authoritative reference and input builder live on the scoring server;
editing this copy changes nothing except your own understanding.
"""

import jax, jax.numpy as jnp
import numpy as np

NUM_CLASSES = 2
BETA = 0.99
PRIOR_POS_WEIGHT = 50.0


def setup_inputs(seed: int = 0) -> dict:
    key = jax.random.key(seed)
    # streaming labels (binary: 0 = standard, 1 = sepsis)
    y = jax.random.randint(jax.random.fold_in(key, 0), (8388608,), 0, 2)
    # buffer 'counts' initialized from prior_pos_weight (initialized=True path):
    # counts[0] = n_neg = 1000.0 ; counts[1:] = n_neg / prior_pos_weight
    n_neg = 1000.0
    counts = jnp.concatenate([
        jnp.array([n_neg], dtype=jnp.float32),
        jnp.full((NUM_CLASSES - 1,), n_neg / PRIOR_POS_WEIGHT, dtype=jnp.float32),
    ])
    return {"y": y, "counts": counts}


def reference(y, counts):
    # update(): initialized == True branch -> EMA over bincount
    y = y.astype(jnp.int32)
    b_counts = jnp.bincount(y, length=NUM_CLASSES).astype(jnp.float32)
    new_counts = BETA * counts + (1.0 - BETA) * b_counts
    # get_weights(): effective-number-of-samples style inverse-frequency weights
    safe_counts = new_counts + 1.0
    total = safe_counts.sum()
    weights = total / (NUM_CLASSES * safe_counts)
    weights = weights / (weights.mean() + 1e-08)
    return new_counts, weights

if __name__ == "__main__":
    import jax
    _d = setup_inputs()
    print(jax.jit(kernel)(*tuple(_d.values())))

</pallas_src>

<mosaic_0001>
#map = affine_map<(d0, d1) -> (0)>
module attributes {stable_mosaic.version = 14 : i64} {
  func.func @_sc_partial_sums_body(%arg0: i32, %arg1: i32, %arg2: memref<8388608xi32, #tpu.memory_space<hbm>>, %arg3: memref<512xi32, #tpu.memory_space<hbm>>, %arg4: memref<32768xi32, #tpu.memory_space<vmem>>, %arg5: memref<32768xi32, #tpu.memory_space<vmem>>, %arg6: memref<16xi32, #tpu.memory_space<vmem>>, %arg7: memref<!tpu.dma_semaphore, #tpu.memory_space<semaphore_mem>>, %arg8: memref<!tpu.dma_semaphore, #tpu.memory_space<semaphore_mem>>) attributes {dimension_semantics = [#tpu.dimension_semantics<core_parallel>, #tpu.dimension_semantics<subcore_parallel>], iteration_bounds = array<i64: 2, 16>, scalar_prefetch = 0 : i64, scratch_operands = 5 : i64, tpu.core_type = #tpu.core_type<sc_vector_subcore>, window_params = [{transform_indices = #map}, {transform_indices = #map}]} {
    %mul3A = arith.constant 2 : i32
    %mul3A_0 = arith.muli %arg1, %mul3A : i32
    %add3A = arith.addi %mul3A_0, %arg0 : i32
    %mul3A_1 = arith.constant 65536 : i32
    %mul3A_2 = arith.muli %add3A, %mul3A_1 : i32
    %add3A_3 = arith.constant 0 : i32
    %add3A_4 = arith.addi %mul3A_2, %add3A_3 : i32
    %dma_start3A = tpu.memref_slice %arg2[%add3A_4] : memref<8388608xi32, #tpu.memory_space<hbm>> -> memref<32768xi32, #tpu.memory_space<hbm>>
    %dma_start3A_5 = tpu.memref_slice %arg2[%add3A_4] : memref<8388608xi32, #tpu.memory_space<hbm>> -> memref<32768xi32, #tpu.memory_space<hbm>>
    tpu.enqueue_dma source(%dma_start3A_5 : memref<32768xi32, #tpu.memory_space<hbm>>) target(%arg4 : memref<32768xi32, #tpu.memory_space<vmem>>) target_semaphore(%arg7 : memref<!tpu.dma_semaphore, #tpu.memory_space<semaphore_mem>>)
    %add3A_6 = arith.constant 32768 : i32
    %add3A_7 = arith.addi %mul3A_2, %add3A_6 : i32
    %dma_start3A_8 = tpu.memref_slice %arg2[%add3A_7] : memref<8388608xi32, #tpu.memory_space<hbm>> -> memref<32768xi32, #tpu.memory_space<hbm>>
    %dma_start3A_9 = tpu.memref_slice %arg2[%add3A_7] : memref<8388608xi32, #tpu.memory_space<hbm>> -> memref<32768xi32, #tpu.memory_space<hbm>>
    tpu.enqueue_dma source(%dma_start3A_9 : memref<32768xi32, #tpu.memory_space<hbm>>) target(%arg5 : memref<32768xi32, #tpu.memory_space<vmem>>) target_semaphore(%arg8 : memref<!tpu.dma_semaphore, #tpu.memory_space<semaphore_mem>>)
    %broadcast_in_dim3A = arith.constant 0 : i32
    %broadcast_in_dim3A_10 = vector.broadcast %broadcast_in_dim3A : i32 to vector<16xi32>
    %broadcast_in_dim3A_11 = arith.constant 0 : i32
    %broadcast_in_dim3A_12 = vector.broadcast %broadcast_in_dim3A_11 : i32 to vector<16xi32>
    %broadcast_in_dim3A_13 = arith.constant 0 : i32
    %broadcast_in_dim3A_14 = vector.broadcast %broadcast_in_dim3A_13 : i32 to vector<16xi32>
    %broadcast_in_dim3A_15 = arith.constant 0 : i32
    %broadcast_in_dim3A_16 = vector.broadcast %broadcast_in_dim3A_15 : i32 to vector<16xi32>
    %add3A_17 = arith.constant 0 : i32
    %add3A_18 = arith.addi %mul3A_2, %add3A_17 : i32
    %dma_wait3A = tpu.memref_slice %arg2[%add3A_18] : memref<8388608xi32, #tpu.memory_space<hbm>> -> memref<32768xi32, #tpu.memory_space<hbm>>
    %dma_wait3A_19 = tpu.memref_slice %arg2[%add3A_18] : memref<8388608xi32, #tpu.memory_space<hbm>> -> memref<32768xi32, #tpu.memory_space<hbm>>
    tpu.wait_dma2 semaphore(%arg7 : memref<!tpu.dma_semaphore, #tpu.memory_space<semaphore_mem>>) src(%dma_wait3A_19 : memref<32768xi32, #tpu.memory_space<hbm>>) dst(%arg4 : memref<32768xi32, #tpu.memory_space<vmem>>)
    %parallel_loop3A = arith.constant 0 : i32
    %parallel_loop3A_20 = arith.constant 512 : i32
    %parallel_loop3A_21 = arith.constant 1 : i32
    %parallel_loop3A_22:4 = scf.for %parallel_loop3A_39 = %parallel_loop3A to %parallel_loop3A_20 step %parallel_loop3A_21 iter_args(%parallel_loop3A_40 = %broadcast_in_dim3A_10, %parallel_loop3A_41 = %broadcast_in_dim3A_12, %parallel_loop3A_42 = %broadcast_in_dim3A_14, %parallel_loop3A_43 = %broadcast_in_dim3A_16) -> (vector<16xi32>, vector<16xi32>, vector<16xi32>, vector<16xi32>)  : i32 {
      %parallel_loop3A_44 = arith.constant 64 : i32
      %parallel_loop3A_45 = arith.muli %parallel_loop3A_39, %parallel_loop3A_44 : i32
      %parallel_loop3A_46 = arith.constant 0 : i32
      %parallel_loop3A_47 = arith.addi %parallel_loop3A_45, %parallel_loop3A_46 : i32
      %parallel_loop3A_48 = arith.index_cast %parallel_loop3A_47 : i32 to index
      %parallel_loop3A_49 = tpu.vector_load %arg4[%parallel_loop3A_48] {strides = array<i32>} : memref<32768xi32, #tpu.memory_space<vmem>>, vector<16xi32>,
      %parallel_loop3A_50 = vector.shape_cast %parallel_loop3A_49 : vector<16xi32> to vector<16xi32>
      %parallel_loop3A_51 = arith.addi %parallel_loop3A_40, %parallel_loop3A_50 : vector<16xi32>
      %parallel_loop3A_52 = arith.constant 16 : i32
      %parallel_loop3A_53 = arith.addi %parallel_loop3A_45, %parallel_loop3A_52 : i32
      %parallel_loop3A_54 = arith.index_cast %parallel_loop3A_53 : i32 to index
      %parallel_loop3A_55 = tpu.vector_load %arg4[%parallel_loop3A_54] {strides = array<i32>} : memref<32768xi32, #tpu.memory_space<vmem>>, vector<16xi32>,
      %parallel_loop3A_56 = vector.shape_cast %parallel_loop3A_55 : vector<16xi32> to vector<16xi32>
      %parallel_loop3A_57 = arith.addi %parallel_loop3A_41, %parallel_loop3A_56 : vector<16xi32>
      %parallel_loop3A_58 = arith.constant 32 : i32
      %parallel_loop3A_59 = arith.addi %parallel_loop3A_45, %parallel_loop3A_58 : i32
      %parallel_loop3A_60 = arith.index_cast %parallel_loop3A_59 : i32 to index
      %parallel_loop3A_61 = tpu.vector_load %arg4[%parallel_loop3A_60] {strides = array<i32>} : memref<32768xi32, #tpu.memory_space<vmem>>, vector<16xi32>,
      %parallel_loop3A_62 = vector.shape_cast %parallel_loop3A_61 : vector<16xi32> to vector<16xi32>
      %parallel_loop3A_63 = arith.addi %parallel_loop3A_42, %parallel_loop3A_62 : vector<16xi32>
      %parallel_loop3A_64 = arith.constant 48 : i32
      %parallel_loop3A_65 = arith.addi %parallel_loop3A_45, %parallel_loop3A_64 : i32
      %parallel_loop3A_66 = arith.index_cast %parallel_loop3A_65 : i32 to index
      %parallel_loop3A_67 = tpu.vector_load %arg4[%parallel_loop3A_66] {strides = array<i32>} : memref<32768xi32, #tpu.memory_space<vmem>>, vector<16xi32>,
      %parallel_loop3A_68 = vector.shape_cast %parallel_loop3A_67 : vector<16xi32> to vector<16xi32>
      %parallel_loop3A_69 = arith.addi %parallel_loop3A_43, %parallel_loop3A_68 : vector<16xi32>
      scf.yield %parallel_loop3A_51, %parallel_loop3A_57, %parallel_loop3A_63, %parallel_loop3A_69 : vector<16xi32>, vector<16xi32>, vector<16xi32>, vector<16xi32>
    } {sc.loop_unroll_factor = 4 : i64, sc.parallel_access}
    %add3A_23 = arith.constant 32768 : i32
    %add3A_24 = arith.addi %mul3A_2, %add3A_23 : i32
    %dma_wait3A_25 = tpu.memref_slice %arg2[%add3A_24] : memref<8388608xi32, #tpu.memory_space<hbm>> -> memref<32768xi32, #tpu.memory_space<hbm>>
    %dma_wait3A_26 = tpu.memref_slice %arg2[%add3A_24] : memref<8388608xi32, #tpu.memory_space<hbm>> -> memref<32768xi32, #tpu.memory_space<hbm>>
    tpu.wait_dma2 semaphore(%arg8 : memref<!tpu.dma_semaphore, #tpu.memory_space<semaphore_mem>>) src(%dma_wait3A_26 : memref<32768xi32, #tpu.memory_space<hbm>>) dst(%arg5 : memref<32768xi32, #tpu.memory_space<vmem>>)
    %parallel_loop3A_27 = arith.constant 0 : i32
    %parallel_loop3A_28 = arith.constant 512 : i32
    %parallel_loop3A_29 = arith.constant 1 : i32
    %parallel_loop3A_30:4 = scf.for %parallel_loop3A_39 = %parallel_loop3A_27 to %parallel_loop3A_28 step %parallel_loop3A_29 iter_args(%parallel_loop3A_40 = %parallel_loop3A_22#0, %parallel_loop3A_41 = %parallel_loop3A_22#1, %parallel_loop3A_42 = %parallel_loop3A_22#2, %parallel_loop3A_43 = %parallel_loop3A_22#3) -> (vector<16xi32>, vector<16xi32>, vector<16xi32>, vector<16xi32>)  : i32 {
      %parallel_loop3A_44 = arith.constant 64 : i32
      %parallel_loop3A_45 = arith.muli %parallel_loop3A_39, %parallel_loop3A_44 : i32
      %parallel_loop3A_46 = arith.constant 0 : i32
      %parallel_loop3A_47 = arith.addi %parallel_loop3A_45, %parallel_loop3A_46 : i32
      %parallel_loop3A_48 = arith.index_cast %parallel_loop3A_47 : i32 to index
      %parallel_loop3A_49 = tpu.vector_load %arg5[%parallel_loop3A_48] {strides = array<i32>} : memref<32768xi32, #tpu.memory_space<vmem>>, vector<16xi32>,
      %parallel_loop3A_50 = vector.shape_cast %parallel_loop3A_49 : vector<16xi32> to vector<16xi32>
      %parallel_loop3A_51 = arith.addi %parallel_loop3A_40, %parallel_loop3A_50 : vector<16xi32>
      %parallel_loop3A_52 = arith.constant 16 : i32
      %parallel_loop3A_53 = arith.addi %parallel_loop3A_45, %parallel_loop3A_52 : i32
      %parallel_loop3A_54 = arith.index_cast %parallel_loop3A_53 : i32 to index
      %parallel_loop3A_55 = tpu.vector_load %arg5[%parallel_loop3A_54] {strides = array<i32>} : memref<32768xi32, #tpu.memory_space<vmem>>, vector<16xi32>,
      %parallel_loop3A_56 = vector.shape_cast %parallel_loop3A_55 : vector<16xi32> to vector<16xi32>
      %parallel_loop3A_57 = arith.addi %parallel_loop3A_41, %parallel_loop3A_56 : vector<16xi32>
      %parallel_loop3A_58 = arith.constant 32 : i32
      %parallel_loop3A_59 = arith.addi %parallel_loop3A_45, %parallel_loop3A_58 : i32
      %parallel_loop3A_60 = arith.index_cast %parallel_loop3A_59 : i32 to index
      %parallel_loop3A_61 = tpu.vector_load %arg5[%parallel_loop3A_60] {strides = array<i32>} : memref<32768xi32, #tpu.memory_space<vmem>>, vector<16xi32>,
      %parallel_loop3A_62 = vector.shape_cast %parallel_loop3A_61 : vector<16xi32> to vector<16xi32>
      %parallel_loop3A_63 = arith.addi %parallel_loop3A_42, %parallel_loop3A_62 : vector<16xi32>
      %parallel_loop3A_64 = arith.constant 48 : i32
      %parallel_loop3A_65 = arith.addi %parallel_loop3A_45, %parallel_loop3A_64 : i32
      %parallel_loop3A_66 = arith.index_cast %parallel_loop3A_65 : i32 to index
      %parallel_loop3A_67 = tpu.vector_load %arg5[%parallel_loop3A_66] {strides = array<i32>} : memref<32768xi32, #tpu.memory_space<vmem>>, vector<16xi32>,
      %parallel_loop3A_68 = vector.shape_cast %parallel_loop3A_67 : vector<16xi32> to vector<16xi32>
      %parallel_loop3A_69 = arith.addi %parallel_loop3A_43, %parallel_loop3A_68 : vector<16xi32>
      scf.yield %parallel_loop3A_51, %parallel_loop3A_57, %parallel_loop3A_63, %parallel_loop3A_69 : vector<16xi32>, vector<16xi32>, vector<16xi32>, vector<16xi32>
    } {sc.loop_unroll_factor = 4 : i64, sc.parallel_access}
    %add3A_31 = arith.addi %parallel_loop3A_30#0, %parallel_loop3A_30#1 : vector<16xi32>
    %add3A_32 = arith.addi %add3A_31, %parallel_loop3A_30#2 : vector<16xi32>
    %add3A_33 = arith.addi %add3A_32, %parallel_loop3A_30#3 : vector<16xi32>
    %swap3A = arith.constant 0 : index
    %swap3A_34 = tpu.vector_load %arg6[%swap3A] {strides = array<i32>} : memref<16xi32, #tpu.memory_space<vmem>>, vector<16xi32>,
    %swap3A_35 = vector.shape_cast %swap3A_34 : vector<16xi32> to vector<16xi32>
    %swap3A_36 = vector.shape_cast %add3A_33 : vector<16xi32> to vector<16xi32>
    tpu.vector_store %arg6[%swap3A], %swap3A_36 {strides = array<i32>} : memref<16xi32, #tpu.memory_space<vmem>>, vector<16xi32>,
    %mul3A_37 = arith.constant 16 : i32
    %mul3A_38 = arith.muli %add3A, %mul3A_37 : i32
    "tpu.region"() ({
      %run_scoped3A = tpu.sem_alloc : memref<!tpu.dma_semaphore, #tpu.memory_space<semaphore_mem>>
      %dma_start3A_39 = tpu.memref_slice %arg3[%mul3A_38] : memref<512xi32, #tpu.memory_space<hbm>> -> memref<16xi32, #tpu.memory_space<hbm>>
      %dma_start3A_40 = tpu.memref_slice %arg3[%mul3A_38] : memref<512xi32, #tpu.memory_space<hbm>> -> memref<16xi32, #tpu.memory_space<hbm>>
      tpu.enqueue_dma source(%arg6 : memref<16xi32, #tpu.memory_space<vmem>>) target(%dma_start3A_40 : memref<16xi32, #tpu.memory_space<hbm>>) target_semaphore(%run_scoped3A : memref<!tpu.dma_semaphore, #tpu.memory_space<semaphore_mem>>)
      %dma_wait3A_41 = tpu.memref_slice %arg3[%mul3A_38] : memref<512xi32, #tpu.memory_space<hbm>> -> memref<16xi32, #tpu.memory_space<hbm>>
      %dma_wait3A_42 = tpu.memref_slice %arg3[%mul3A_38] : memref<512xi32, #tpu.memory_space<hbm>> -> memref<16xi32, #tpu.memory_space<hbm>>
      tpu.wait_dma2 semaphore(%run_scoped3A : memref<!tpu.dma_semaphore, #tpu.memory_space<semaphore_mem>>) src(%arg6 : memref<16xi32, #tpu.memory_space<vmem>>) dst(%dma_wait3A_42 : memref<16xi32, #tpu.memory_space<hbm>>)
      tpu.yield
    }) : () -> ()
    return
  }
}

module attributes {stable_mosaic.version = 14 : i64} {
  func.func @_tc_reduce_body(%arg0: i32, %arg1: memref<16384x128xi32, #tpu.memory_space<vmem>>, %arg2: memref<8x128xi32, #tpu.memory_space<vmem>>) attributes {dimension_semantics = [#tpu.dimension_semantics<arbitrary>], iteration_bounds = array<i64: 3>, scalar_prefetch = 0 : i64, scratch_operands = 0 : i64, tpu.core_type = #tpu.core_type<tc>, window_params = [{transform_indices = @transform_0, window_bounds = array<i64: 16384, 128>}, {pipeline_mode = #tpu.pipeline_mode<synchronous>, transform_indices = @transform_1, window_bounds = array<i64: 8, 128>}]} {
    %eq3A = arith.constant 0 : i32
    %eq3A_0 = arith.cmpi eq, %arg0, %eq3A : i32
    %convert_element_type3A = arith.extui %eq3A_0 : i1 to i32
    %cond3A = arith.constant 0 : i32
    %cond3A_1 = arith.cmpi ne, %convert_element_type3A, %cond3A : i32
    scf.if %cond3A_1 {
      %broadcast_in_dim3A = arith.constant 0 : i32
      %broadcast_in_dim3A_25 = vector.broadcast %broadcast_in_dim3A : i32 to vector<8x128xi32>
      %swap3A_26 = arith.constant 0 : index
      %swap3A_27 = arith.constant 0 : index
      %swap3A_28 = vector.load %arg2[%swap3A_26, %swap3A_27] : memref<8x128xi32, #tpu.memory_space<vmem>>, vector<8x128xi32>
      tpu.vector_store %arg2[%swap3A_26, %swap3A_27], %broadcast_in_dim3A_25 {strides = array<i32>} : memref<8x128xi32, #tpu.memory_space<vmem>>, vector<8x128xi32>,
    } else {
    }
    %get3A = arith.constant 0 : index
    %get3A_2 = arith.constant 0 : index
    %get3A_3 = vector.load %arg1[%get3A, %get3A_2] : memref<16384x128xi32, #tpu.memory_space<vmem>>, vector<16384x128xi32>
    %reshape3A = vector.shape_cast %get3A_3 : vector<16384x128xi32> to vector<4x512x8x128xi32>
    %get3A_4 = arith.constant 0 : index
    %get3A_5 = arith.constant 0 : index
    %get3A_6 = vector.load %arg2[%get3A_4, %get3A_5] : memref<8x128xi32, #tpu.memory_space<vmem>>, vector<8x128xi32>
    %slice3A = vector.extract_strided_slice %reshape3A {offsets = [0, 0, 0, 0], sizes = [1, 512, 8, 128], strides = [1, 1, 1, 1]} : vector<4x512x8x128xi32> to vector<1x512x8x128xi32>
    %squeeze3A = vector.shape_cast %slice3A : vector<1x512x8x128xi32> to vector<512x8x128xi32>
    %reduce_sum3A = arith.constant dense<0> : vector<8x128xi32>
    %reduce_sum3A_7 = vector.multi_reduction <add>, %squeeze3A, %reduce_sum3A [0] : vector<512x8x128xi32> to vector<8x128xi32>
    %slice3A_8 = vector.extract_strided_slice %reshape3A {offsets = [1, 0, 0, 0], sizes = [1, 512, 8, 128], strides = [1, 1, 1, 1]} : vector<4x512x8x128xi32> to vector<1x512x8x128xi32>
    %squeeze3A_9 = vector.shape_cast %slice3A_8 : vector<1x512x8x128xi32> to vector<512x8x128xi32>
    %reduce_sum3A_10 = arith.constant dense<0> : vector<8x128xi32>
    %reduce_sum3A_11 = vector.multi_reduction <add>, %squeeze3A_9, %reduce_sum3A_10 [0] : vector<512x8x128xi32> to vector<8x128xi32>
    %add3A = arith.addi %reduce_sum3A_7, %reduce_sum3A_11 : vector<8x128xi32>
    %slice3A_12 = vector.extract_strided_slice %reshape3A {offsets = [2, 0, 0, 0], sizes = [1, 512, 8, 128], strides = [1, 1, 1, 1]} : vector<4x512x8x128xi32> to vector<1x512x8x128xi32>
    %squeeze3A_13 = vector.shape_cast %slice3A_12 : vector<1x512x8x128xi32> to vector<512x8x128xi32>
    %reduce_sum3A_14 = arith.constant dense<0> : vector<8x128xi32>
    %reduce_sum3A_15 = vector.multi_reduction <add>, %squeeze3A_13, %reduce_sum3A_14 [0] : vector<512x8x128xi32> to vector<8x128xi32>
    %slice3A_16 = vector.extract_strided_slice %reshape3A {offsets = [3, 0, 0, 0], sizes = [1, 512, 8, 128], strides = [1, 1, 1, 1]} : vector<4x512x8x128xi32> to vector<1x512x8x128xi32>
    %squeeze3A_17 = vector.shape_cast %slice3A_16 : vector<1x512x8x128xi32> to vector<512x8x128xi32>
    %reduce_sum3A_18 = arith.constant dense<0> : vector<8x128xi32>
    %reduce_sum3A_19 = vector.multi_reduction <add>, %squeeze3A_17, %reduce_sum3A_18 [0] : vector<512x8x128xi32> to vector<8x128xi32>
    %add3A_20 = arith.addi %reduce_sum3A_15, %reduce_sum3A_19 : vector<8x128xi32>
    %add3A_21 = arith.addi %add3A, %add3A_20 : vector<8x128xi32>
    %add3A_22 = arith.addi %get3A_6, %add3A_21 : vector<8x128xi32>
    %swap3A = arith.constant 0 : index
    %swap3A_23 = arith.constant 0 : index
    %swap3A_24 = vector.load %arg2[%swap3A, %swap3A_23] : memref<8x128xi32, #tpu.memory_space<vmem>>, vector<8x128xi32>
    tpu.vector_store %arg2[%swap3A, %swap3A_23], %add3A_22 {strides = array<i32>} : memref<8x128xi32, #tpu.memory_space<vmem>>, vector<8x128xi32>,
    return
  }
  func.func @transform_0(%arg0: i32) -> (i32, i32) {
    %add3A = arith.constant 1 : i32
    %add3A_0 = arith.addi %add3A, %arg0 : i32
    %c0_i32 = arith.constant 0 : i32
    %c0_i32_1 = arith.constant 0 : i32
    return %add3A_0, %c0_i32 : i32, i32
  }
  func.func @transform_1(%arg0: i32) -> (i32, i32) {
    %c0_i32 = arith.constant 0 : i32
    %c0_i32_0 = arith.constant 0 : i32
    %c0_i32_1 = arith.constant 0 : i32
    return %c0_i32, %c0_i32_0 : i32, i32
  }
}

module attributes {stable_mosaic.version = 14 : i64} {
  func.func @_tc_finalize_body(%arg0: memref<4x128xi32, #tpu.memory_space<vmem>>, %arg1: memref<8x128xi32, #tpu.memory_space<vmem>>, %arg2: memref<2xf32, #tpu.memory_space<smem>>, %arg3: memref<2xf32, #tpu.memory_space<smem>>, %arg4: memref<2xf32, #tpu.memory_space<smem>>) attributes {dimension_semantics = [], scalar_prefetch = 0 : i64, scratch_operands = 0 : i64, tpu.core_type = #tpu.core_type<tc>} {
    %get3A = arith.constant 0 : index
    %get3A_0 = arith.constant 0 : index
    %get3A_1 = vector.load %arg0[%get3A, %get3A_0] : memref<4x128xi32, #tpu.memory_space<vmem>>, vector<4x128xi32>
    %reduce_sum3A = vector.shape_cast %get3A_1 : vector<4x128xi32> to vector<1x4x128xi32>
    %reduce_sum3A_2 = arith.constant dense<0> : vector<1xi32>
    %reduce_sum3A_3 = vector.multi_reduction <add>, %reduce_sum3A, %reduce_sum3A_2 [1, 2] : vector<1x4x128xi32> to vector<1xi32>
    %reduce_sum3A_4 = vector.shape_cast %reduce_sum3A_3 : vector<1xi32> to vector<1x1x1xi32>
    %reduce_sum3A_5 = vector.extract %reduce_sum3A_4[0, 0, 0] : i32 from vector<1x1x1xi32>
    %get3A_6 = arith.constant 0 : index
    %get3A_7 = arith.constant 0 : index
    %get3A_8 = vector.load %arg1[%get3A_6, %get3A_7] : memref<8x128xi32, #tpu.memory_space<vmem>>, vector<8x128xi32>
    %reduce_sum3A_9 = vector.shape_cast %get3A_8 : vector<8x128xi32> to vector<1x8x128xi32>
    %reduce_sum3A_10 = arith.constant dense<0> : vector<1xi32>
    %reduce_sum3A_11 = vector.multi_reduction <add>, %reduce_sum3A_9, %reduce_sum3A_10 [1, 2] : vector<1x8x128xi32> to vector<1xi32>
    %reduce_sum3A_12 = vector.shape_cast %reduce_sum3A_11 : vector<1xi32> to vector<1x1x1xi32>
    %reduce_sum3A_13 = vector.extract %reduce_sum3A_12[0, 0, 0] : i32 from vector<1x1x1xi32>
    %add3A = arith.addi %reduce_sum3A_5, %reduce_sum3A_13 : i32
    %convert_element_type3A = arith.sitofp %add3A : i32 to f32
    %sub3A = arith.constant 0x4B000000 : f32
    %sub3A_14 = arith.subf %sub3A, %convert_element_type3A : f32
    %get3A_15 = arith.constant 0 : index
    %get3A_16 = memref.load %arg2[%get3A_15] : memref<2xf32, #tpu.memory_space<smem>>
    %get3A_17 = arith.constant 1 : index
    %get3A_18 = memref.load %arg2[%get3A_17] : memref<2xf32, #tpu.memory_space<smem>>
    %mul3A = arith.constant 9.900000e-01 : f32
    %mul3A_19 = arith.mulf %mul3A, %get3A_16 : f32
    %mul3A_20 = arith.constant 0.00999999977 : f32
    %mul3A_21 = arith.mulf %mul3A_20, %sub3A_14 : f32
    %add3A_22 = arith.addf %mul3A_19, %mul3A_21 : f32
    %mul3A_23 = arith.constant 9.900000e-01 : f32
    %mul3A_24 = arith.mulf %mul3A_23, %get3A_18 : f32
    %mul3A_25 = arith.constant 0.00999999977 : f32
    %mul3A_26 = arith.mulf %mul3A_25, %convert_element_type3A : f32
    %add3A_27 = arith.addf %mul3A_24, %mul3A_26 : f32
    %add3A_28 = arith.constant 1.000000e+00 : f32
    %add3A_29 = arith.addf %add3A_22, %add3A_28 : f32
    %add3A_30 = arith.constant 1.000000e+00 : f32
    %add3A_31 = arith.addf %add3A_27, %add3A_30 : f32
    %add3A_32 = arith.addf %add3A_29, %add3A_31 : f32
    %mul3A_33 = arith.constant 2.000000e+00 : f32
    %mul3A_34 = arith.mulf %mul3A_33, %add3A_29 : f32
    %div3A = arith.divf %add3A_32, %mul3A_34 : f32
    %mul3A_35 = arith.constant 2.000000e+00 : f32
    %mul3A_36 = arith.mulf %mul3A_35, %add3A_31 : f32
    %div3A_37 = arith.divf %add3A_32, %mul3A_36 : f32
    %add3A_38 = arith.addf %div3A, %div3A_37 : f32
    %mul3A_39 = arith.constant 5.000000e-01 : f32
    %mul3A_40 = arith.mulf %add3A_38, %mul3A_39 : f32
    %add3A_41 = arith.constant 9.99999993E-9 : f32
    %add3A_42 = arith.addf %mul3A_40, %add3A_41 : f32
    %div3A_43 = arith.divf %div3A, %add3A_42 : f32
    %add3A_44 = arith.constant 9.99999993E-9 : f32
    %add3A_45 = arith.addf %mul3A_40, %add3A_44 : f32
    %div3A_46 = arith.divf %div3A_37, %add3A_45 : f32
    %swap3A = arith.constant 0 : index
    %swap3A_47 = memref.load %arg3[%swap3A] : memref<2xf32, #tpu.memory_space<smem>>
    memref.store %add3A_22, %arg3[%swap3A] : memref<2xf32, #tpu.memory_space<smem>>
    %swap3A_48 = arith.constant 1 : index
    %swap3A_49 = memref.load %arg3[%swap3A_48] : memref<2xf32, #tpu.memory_space<smem>>
    memref.store %add3A_27, %arg3[%swap3A_48] : memref<2xf32, #tpu.memory_space<smem>>
    %swap3A_50 = arith.constant 0 : index
    %swap3A_51 = memref.load %arg4[%swap3A_50] : memref<2xf32, #tpu.memory_space<smem>>
    memref.store %div3A_43, %arg4[%swap3A_50] : memref<2xf32, #tpu.memory_space<smem>>
    %swap3A_52 = arith.constant 1 : index
    %swap3A_53 = memref.load %arg4[%swap3A_52] : memref<2xf32, #tpu.memory_space<smem>>
    memref.store %div3A_46, %arg4[%swap3A_52] : memref<2xf32, #tpu.memory_space<smem>>
    return
  }
}

</mosaic_0001>

<sc_bundles>
// kernel: kernel.5.cloned.1.call-start
scs
__scs_entry_jumppad:
0x0: {  	(pc) =	sbr.rel $0x88, $3  }
0x1: {  	(tag) =	ssettag $0x0;
	lr =	simm.s32 $0x1  }
0x2: {  	[smem:$0x3F9F] =	sst lr;
	_ =	strace $0xD0000000  }
0x3: {  	_ = 	snop  }
0x4: {  	_ = 	snop  }
0x5: {  	_ = 	snop  }
0x6: {  	_ = 	snop  }
0x7: {  	_ = 	snop  }
__scs_overlays_trampoline_lowered:
0x8: {  	[smem:$0x3FAE] =	sst s0  }
0x9: {  	[smem:$0x3FAF] =	sst s1  }
0xa: {  	[smem:$0x3FB0] =	sst s2  }
0xb: {  	[smem:$0x3FB1] =	sst s3  }
0xc: {  	[smem:$0x3FB2] =	sst s4  }
0xd: {  	[smem:$0x3FB3] =	sst s5  }
0xe: {  	[smem:$0x3FB4] =	sst s6  }
0xf: {  	[smem:$0x3FB5] =	sst s7  }
0x10: {  	[smem:$0x3FB6] =	sst s8  }
0x11: {  	[smem:$0x3FB7] =	sst s9;
	s0 =	simm.s32 @!p0 $0x0  }
0x12: {  	s1 =	sld [smem:$0x3F9D];
	s0 =	simm.s32 @p0 $0x1  }
0x13: {  	[smem:$0x3FB8] =	sst s0;
	s0 =	simm.s32 @!p1 $0x0  }
0x14: {  	s2 =	sld [smem:$0x3F9C];
	s0 =	simm.s32 @p1 $0x1  }
0x15: {  	[smem:$0x3FB9] =	sst s0;
	s0 =	simm.s32 @!p2 $0x0  }
0x16: {  	s3 =	sld [smem:$0x3FDB];
	s0 =	simm.s32 @p2 $0x1  }
0x17: {  	s4 =	simm.s32 $0x1BF5;
	[smem:$0x3FBB] =	sst s0  }
0x18: {  	s0 =	sld [smem:$0x3F9E];
	_ =	swait.ge [sflag:s4], $0x0  }
0x19: {  	s7 =	sld [smem:$0x3F9F]  }
0x1a: {  	s8 =	sadd.s32 $0xFFFFE003, lr  }
0x1b: {  	s9 =	sadd.s32 $0xFFFFFEF7, lr;
	s5 =	simm.s32 $0xFFFFFFFF;
	p2 =	slt.u32 s8, $0xFFFFF086  }
0x1c: {  	p1 =	slt.u32 s9, $0xF7A;
	s5 =	simm.s32 @!p2 $0x0  }
0x1d: {  	s5 =	simm.s32 @p1 $0x1;
	p0 =	seq.s32 s7, s2  }
0x1e: {  	s7 =	smul.u32 @!p0 $0xF7A, s2;
	p2 =	seq.s32 @!p0 s5, $0x0  }
0x1f: {  	s9 =	smul.u32 $0xF7A, s1;
	s8 =	simm.s32 @!p0 $0x1BF5;
	p2 =	por !p2, p0  }
0x20: {  	[sflag:s8] =	ssyncset.s32 @!p0 $0xFFFFF086;
	s6 =	sadd.s32 @!p0 s3, s7;
	s7 =	simm.s32 @!p0 $0x108  }
0x21: {  	s3 =	sadd.s32 s3, s9;
	s6 =	sadd.s32 @!p0 $0x88, s6;
	s7 =	simm.s32 @p2 $0x1082  }
0x22: {  	[simem:s7], [sflag:s8] =	dma.local @!p0 [hbm:s6], $0xF7A  }
0x23: {  	s9 =	sor.u32 $0xD0000000, s2;
	s6 =	simm.s32 $0x108;
	_ =	swait.ge @!p0 [sflag:s8], $0x0  }
0x24: {  	s3 =	sadd.s32 $0x88, s3;
	s6 =	simm.s32 @!p1 $0x1082;
	[sflag:s4] =	ssyncset.s32 $0xFFFFF086  }
0x25: {  	[simem:s6], [sflag:s4] =	dma.local [hbm:s3], $0xF7A  }
0x26: {  	[smem:$0x3F9F] =	sst s1;
	(tag) =	ssettag s2;
	_ =	strace s9  }
0x27: {  	s1 =	sld [smem:$0x3FAF]  }
0x28: {  	s2 =	sld [smem:$0x3FB0]  }
0x29: {  	s4 =	sld [smem:$0x3FB2]  }
0x2a: {  	p0 =	seq.s32 s5, $0x0;
	s5 =	sld [smem:$0x3FB3]  }
0x2b: {  	s6 =	sld [smem:$0x3FB4]  }
0x2c: {  	s7 =	sld [smem:$0x3FB5]  }
0x2d: {  	s3 =	simm.s32 $0x108;
	s8 =	sld [smem:$0x3FB6]  }
0x2e: {  	s3 =	simm.s32 @!p0 $0x1082;
	s9 =	sld [smem:$0x3FB7]  }
0x2f: {  	lr =	sadd.s32 s0, s3;
	s0 =	sld [smem:$0x3FAE]  }
0x30: {  	s3 =	sld [smem:$0x3FB1]  }
0x31: {  	[smem:$0x3FBA] =	sst s10  }
0x32: {  	s10 =	sld [smem:$0x3FB8];
	_ =	sdelay $0x3  }
0x33: {  	p0 =	seq.s32 s10, $0x1;
	s10 =	sld [smem:$0x3FBA];
	_ =	sdelay $0x3  }
0x34: {  	[smem:$0x3FBA] =	sst s10  }
0x35: {  	s10 =	sld [smem:$0x3FB9];
	_ =	sdelay $0x3  }
0x36: {  	p1 =	seq.s32 s10, $0x1;
	s10 =	sld [smem:$0x3FBA];
	_ =	sdelay $0x3  }
0x37: {  	[smem:$0x3FBA] =	sst s10  }
0x38: {  	s10 =	sld [smem:$0x3FBB]  }
0x39: {  	_ = 	snop;
	(pc) =	sbr.ind lr, $3  }
0x3a: {  	_ = 	snop  }
0x3b: {  	_ = 	snop  }
0x3c: {  	p2 =	seq.s32 s10, $0x1;
	s10 =	sld [smem:$0x3FBA]  }
0x3d: {  	_ =	shalt  }
0x3e: {  	_ =	shalt  }
0x3f: {  	_ =	shalt  }
0x40: {  	_ =	shalt  }
0x41: {  	_ =	shalt  }
0x42: {  	_ =	shalt  }
0x43: {  	_ =	shalt  }
0x44: {  	_ =	shalt  }
0x45: {  	_ =	shalt  }
0x46: {  	_ =	shalt  }
0x47: {  	_ =	shalt  }
0x48: {  	_ =	shalt  }
0x49: {  	_ =	shalt  }
0x4a: {  	_ =	shalt  }
0x4b: {  	_ =	shalt  }
0x4c: {  	_ =	shalt  }
0x4d: {  	_ =	shalt  }
0x4e: {  	_ =	shalt  }
0x4f: {  	_ =	shalt  }
0x50: {  	_ =	shalt  }
0x51: {  	_ =	shalt  }
0x52: {  	_ =	shalt  }
0x53: {  	_ =	shalt  }
0x54: {  	_ =	shalt  }
0x55: {  	_ =	shalt  }
0x56: {  	_ =	shalt  }
0x57: {  	_ =	shalt  }
0x58: {  	_ =	shalt  }
0x59: {  	_ =	shalt  }
0x5a: {  	_ =	shalt  }
0x5b: {  	_ =	shalt  }
0x5c: {  	_ =	shalt  }
0x5d: {  	_ =	shalt  }
0x5e: {  	_ =	shalt  }
0x5f: {  	_ =	shalt  }
0x60: {  	_ =	shalt  }
0x61: {  	_ =	shalt  }
0x62: {  	_ =	shalt  }
0x63: {  	_ =	shalt  }
0x64: {  	_ =	shalt  }
0x65: {  	_ =	shalt  }
0x66: {  	_ =	shalt  }
0x67: {  	_ =	shalt  }
0x68: {  	_ =	shalt  }
0x69: {  	_ =	shalt  }
0x6a: {  	_ =	shalt  }
0x6b: {  	_ =	shalt  }
0x6c: {  	_ =	shalt  }
0x6d: {  	_ =	shalt  }
0x6e: {  	_ =	shalt  }
0x6f: {  	_ =	shalt  }
0x70: {  	_ =	shalt  }
0x71: {  	_ =	shalt  }
0x72: {  	_ =	shalt  }
0x73: {  	_ =	shalt  }
0x74: {  	_ =	shalt  }
0x75: {  	_ =	shalt  }
0x76: {  	_ =	shalt  }
0x77: {  	_ =	shalt  }
0x78: {  	_ =	shalt  }
0x79: {  	_ =	shalt  }
0x7a: {  	_ =	shalt  }
0x7b: {  	_ =	shalt  }
0x7c: {  	_ =	shalt  }
0x7d: {  	_ =	shalt  }
0x7e: {  	_ =	shalt  }
0x7f: {  	_ =	shalt  }
0x80: {  	_ =	shalt  }
0x81: {  	_ =	shalt  }
0x82: {  	_ =	shalt  }
0x83: {  	_ =	shalt  }
0x84: {  	_ =	shalt  }
0x85: {  	_ =	shalt  }
0x86: {  	_ =	shalt  }
0x87: {  	_ =	shalt  }
.Lfunc_end0:
.L_simem_size_0:
called_computation_lowered:
.L_overlay_start_0:
0x88: {  	s2 =	sld [smem:$0x3FD9]  }
0x89: {  	s3 =	sld [smem:$0x3FFE];
	_ =	sdelay $0x1  }
0x8a: {  	s1 =	srdreg.scid  }
0x8b: {  	s0 =	sand.u32 $0x1, s1  }
0x8c: {  	s17 =	sshll.u32 s0, $0xA;
	s2 =	sadd.s32 s3, s2  }
0x8d: {  	s2 =	sadd.s32 s2, s17  }
0x8e: {  	[smem:$0x3FC6] =	sst s2  }
0x8f: {  	_ = 	snop  }
0x90: {  	s2 =	sld [smem:$0x3FC9];
	(tm) =	ssettm $0x1  }
0x91: {  	s18 =	sld [smem:$0x3FFB];
	_ =	sdelay $0x3  }
0x92: {  	_ =	strace s18  }
0x93: {  	s3 =	sld [smem:$0x3FFC];
	_ =	sdelay $0x3  }
0x94: {  	_ =	strace s3  }
0x95: {  	s3 =	sld [smem:$0x3FFD];
	_ =	sdelay $0x3  }
0x96: {  	_ =	strace s3  }
0x97: {  	_ =	strace $0x8FFFFFFF  }
0x98: {  	s19 =	sld [smem:$0x3FDB];
	_ =	sdelay $0x1  }
0x99: {  	s4 =	simm.s32 $_scs_section_size  }
0x9a: {  	s5 =	simm.s32 $_size__tile_overlayer_lowered;
	s6 =	simm.s32 $_tile_overlayer_lowered  }
0x9b: {  	s22 =	simm.s32 $0x1BFF;
	s21 =	sshll.u32 s6, $0x1;
	s3 =	sadd.s32 s4, s19  }
0x9c: {  	s7 =	simm.s32 $0x0;
	s20 =	sshll.u32 s5, $0x1;
	s5 =	sadd.s32 s21, s3  }
0x9d: {  	[timem:s7], [sflag:s22] =	dma.local [hbm:s5], s20  }
0x9e: {  	_ =	swait.ge [sflag:s22], s20  }
0x9f: {  	s4 =	ssub.s32 $0x0, s20;
	[sflag:s22] =	ssyncset.done $0x0  }
0xa0: {  	[sflag:s22] =	ssyncadd.s32 s4;
	_ =	sdelay $0x1  }
0xa1: {  	s23 =	simm.s32 $0x1B8B  }
0xa2: {  	_ =	swait.ge [sflag:s23], $0x1  }
0xa3: {  	[sflag:s23] =	ssyncset.done $0x0  }
0xa4: {  	s25 =	simm.s32 $0x1B8E;
	s24 =	sld [smem:$0x3FFE];
	[sflag:s23] =	ssyncadd.s32 $0xFFFFFFFF  }
0xa5: {  	s26 =	simm.s32 $execute0_lowered;
	[smem:$0x3FD2] =	sst s25  }
0xa6: {  	s5 =	sshll.u32 s26, $0x1;
	_ =	strace $0x80000046;
	[dreg:$0x1] =	wrdreg $0xFFFFFFFF  }
0xa7: {  	s28 =	simm.s32 $_size_execute0_lowered;
	s3 =	sadd.s32 s3, s5;
	[dreg:$0x0] =	wrdreg $0x0  }
0xa8: {  	s5 =	sshll.u32 s28, $0x1;
	[dreg:$0x2] =	wrdreg s3  }
0xa9: {  	[dreg:$0x3] =	wrdreg s5  }
0xaa: {  	[dreg:$0x4] =	wrdreg $0xC0  }
0xab: {  	_ =	task [dreg:s7], $0x5FFFF  }
0xac: {  	[dreg:$0x1] =	wrdreg $0xFFFFFFFF  }
0xad: {  	[dreg:$0x0] =	wrdreg $0x60  }
0xae: {  	[dreg:$0x2] =	wrdreg s2  }
0xaf: {  	[dreg:$0x3] =	wrdreg s24  }
0xb0: {  	[dreg:$0x4] =	wrdreg $0x9  }
0xb1: {  	_ =	task.clear_ibuf [dreg:s7], $0x5FFFF;
	_ =	strace $0x90000046  }
0xb2: {  	s29 =	simm.s32 $0x9;
	_ =	strace $0x80000048  }
0xb3: {  	_ =	swait.ge [sflag:s29], $0x1  }
0xb4: {  	[sflag:s29] =	ssyncadd.s32 $0xFFFFFFFF  }
0xb5: {  	_ =	strace $0x90000048  }
0xb6: {  	_ =	sfence  }
0xb7: {  	s30 =	sld [smem:$0x0];
	_ =	sdelay $0x2  }
0xb8: {  	s31 =	sshll.u32 s1, $0xD;
	s1 =	sshrl.u32 s1, $0x2  }
0xb9: {  	s3 =	sand.u32 $0x4000, s31;
	s1 =	sadd.s32 s1, s30  }
0xba: {  	s0 =	sor.u32 s3, s0;
	s1 =	sshll.u32 s1, $0x11  }
0xbb: {  	s0 =	sor.u32 s1, s0  }
0xbc: {  	s0 =	sadd.s32 $0x8F2B, s0  }
0xbd: {  	[sflag:s0] =	ssyncadd.remote.s32 $0x1  }
0xbe: {  	_ =	sfence.sel $0xFFFF  }
0xbf: {  	[dreg:$0x0] =	wrdreg $0xFFFFFFFF;
	(pc) =	sbr.abs _section_cstart, $3  }
0xc0: {  	[dreg:$0x1] =	wrdreg $0xFFFFFFFF  }
0xc1: {  	_ =	task.clear_ibuf [dreg:s7], $0x2FFFF;
	_ =	strace $0x9FFFFFFF  }
0xc2: {  	(tm) =	ssettm $0x7FFFFFFF  }
0xc3: {  	_ =	shalt  }
tec
execute0_lowered:
.L_overlay_start_1:
0x0: {  	(tag) =	ssettag $0x1  }
0x1: {  	s3 =	rddreg [dreg:$0x0]  }
0x2: {  	s4 =	rddreg [dreg:$0x1]  }
0x3: {  	s0 =	rddreg [dreg:$0x2]  }
0x4: {  	s2 =	simm.s32 $0x0;
	s5 =	srdreg.scid;
	s1 =	stileid.u32  }
0x5: {  	s9 =	simm.s32 $0x2;
	s10 =	simm.s32 $0x10000;
	s11 =	simm.s32 $0x3  }
0x6: {  	[smem:$0x7FF] =	sst s2;
	s5 =	sand.u32 $0x1, s5;
	s6 =	sshll.u32 s1, $0x1  }
0x7: {  	s12 =	simm.s32 $0x0;
	_ =	strace $0x80000047;
	s6 =	sor.u32 s5, s6  }
0x8: {  	s5 =	ssub.s32 $0x2, s5;
	s7 =	sshll.u32 s6, $0x1;
	s6 =	sshll.u32 s6, $0xD  }
0x9: {  	s8 =	sshrl.u32 s5, $0x1;
	s7 =	sadd.s32 s7, s4;
	s3 =	sadd.s32 s3, s6  }
0xa: {  	s8 =	ssub.s32 s5, s8;
	s4 =	sadd.s32 $0x1000, s3;
	s5 =	sadd.s32 $0x800, s7  }
0xb: {  	s6 =	smax.u32 s8, $0x1;
	s7 =	simm.s32 $0x8000;
	s8 =	simm.s32 $0x1  }
.LBB2_1:
0xc: {  	[tilespmem:s2], [sflag:$0x1] =	stream.linear.gather [hbm4b:s3+s2], $0x8000, $0x38;
	[tilespmem:$0x10080] =	vst v63  }
0xd: {  	_ = 	snop  }
0xe: {  	[tilespmem:s7], [sflag:$0x2] =	stream.linear.gather [hbm4b:s4+s2], $0x8000, $0x38;
	[tilespmem:$0x10080] =	vst v63  }
0xf: {  	_ =	swait.ge [sflag:s8], $0x8000  }
0x10: {  	[sflag:s8] =	ssyncset.done $0x0  }
0x11: {  	s14 =	simm.s32 $0x0;
	[sflag:s8] =	ssyncadd.s32 $0xFFFF8000  }
0x12: {  	v1 =	vld [tilespmem:s14+$0x30]  }
0x13: {  	v0 =	vld [tilespmem:s14+$0x0]  }
0x14: {  	v2 =	vimm.s32 $0x0;
	v3 =	vld [tilespmem:s14+$0x10]  }
0x15: {  	s13 =	simm.s32 $0x100;
	v5 =	vimm.s32 $0x0;
	v6 =	vimm.s32 $0x0;
	v7 =	vimm.s32 $0x0;
	v4 =	vld [tilespmem:s14+$0x20]  }
.LBB2_2:
0x16: {  	p0 =	sne.s32 s13, $0x1FF00  }
.Ltmp0:
0x17: {  	s14 =	sshra.s32 s13, $0x2;
	s13 =	sadd.s32 $0x100, s13;
	v2 =	vadd.s32 v2, v1;
	(pc) =	sbr.rel @p0 .LBB2_2-.Ltmp0, $4  }
0x18: {  	v1 =	vld [tilespmem:s14+$0x30];
	v5 =	vadd.s32 v5, v0  }
0x19: {  	v0 =	vld [tilespmem:s14+$0x0];
	v6 =	vadd.s32 v6, v3  }
0x1a: {  	v3 =	vld [tilespmem:s14+$0x10];
	v7 =	vadd.s32 v7, v4  }
0x1b: {  	v4 =	vld [tilespmem:s14+$0x20]  }
0x1c: {  	_ =	swait.ge [sflag:s9], $0x8000  }
0x1d: {  	[sflag:s9] =	ssyncset.done $0x0  }
0x1e: {  	s14 =	simm.s32 $0x0;
	[sflag:s9] =	ssyncadd.s32 $0xFFFF8000  }
0x1f: {  	v8 =	vld [tilespmem:s14+$0x8030]  }
0x20: {  	v9 =	vld [tilespmem:s14+$0x8000]  }
0x21: {  	v1 =	vadd.s32 v2, v1;
	v2 =	vld [tilespmem:s14+$0x8010]  }
0x22: {  	s13 =	simm.s32 $0x100;
	v0 =	vadd.s32 v5, v0;
	v3 =	vadd.s32 v6, v3;
	v5 =	vld [tilespmem:s14+$0x8020];
	v4 =	vadd.s32 v7, v4  }
.LBB2_4:
0x23: {  	p0 =	sne.s32 s13, $0x1FF00  }
.Ltmp1:
0x24: {  	s14 =	sshra.s32 s13, $0x2;
	s13 =	sadd.s32 $0x100, s13;
	v1 =	vadd.s32 v1, v8;
	(pc) =	sbr.rel @p0 .LBB2_4-.Ltmp1, $4  }
0x25: {  	v8 =	vld [tilespmem:s14+$0x8030];
	v0 =	vadd.s32 v0, v9  }
0x26: {  	v9 =	vld [tilespmem:s14+$0x8000];
	v3 =	vadd.s32 v3, v2  }
0x27: {  	v2 =	vld [tilespmem:s14+$0x8010];
	v4 =	vadd.s32 v4, v5  }
0x28: {  	v5 =	vld [tilespmem:s14+$0x8020]  }
0x29: {  	_ =	sdelay $0x2  }
0x2a: {  	v0 =	vadd.s32 v0, v9;
	v2 =	vadd.s32 v3, v2  }
0x2b: {  	v63 =	vadd.s32 v4, v5;
	v0 =	vadd.s32 v0, v2  }
0x2c: {  	s12 =	sadd.s32 $0x1, s12;
	v1 =	vadd.s32 v1, v8;
	v0 =	vadd.s32 v63, v0  }
0x2d: {  	p0 =	sne.s32 s12, s6;
	v0 =	vadd.s32 v1, v0  }
.Ltmp2:
0x2e: {  	[tilespmem:$0x10000] =	vst v0;
	(pc) =	sbr.rel @p0 .LBB2_1-.Ltmp2, $4  }
0x2f: {  	[hbm4b:s5+s2] =	stream.linear.scatter [tilespmem:s10], [sflag:$0x3], $0x10, $0x38;
	[tilespmem:$0x10080] =	vst v63  }
0x30: {  	_ =	swait.ge [sflag:s11], $0x10  }
0x31: {  	[sflag:s11] =	ssyncset.done $0x0  }
0x32: {  	[sflag:s11] =	ssyncadd.s32 $0xFFFFFFF0  }
0x33: {  	_ =	sfence.sel $0x180000  }
0x34: {  	[bflag:$0x0] =	sbarrier.arrive $0xFFFF  }
0x35: {  	p0 =	sne.s32 s1, $0x0;
	_ =	strace $0x90000047  }
0x36: {  	s0 =	sadd.s32 @!p0 $0x100000, s0;
	[bflag:$0x2] =	sbarrier.arrive $0xFFFF  }
0x37: {  	[sflag:s0] =	ssyncadd.tile.s32 @!p0 $0x1;
	_ =	shalt  }
.Lfunc_end2:
_tile_overlayer_lowered:
.L_overlay_start_2:
0x38: {  	(tag) =	ssettag $0x2  }
0x39: {  	s0 =	rddreg [dreg:$0x0];
	s2 =	stileid.u32  }
0x3a: {  	s1 =	rddreg [dreg:$0x1];
	p0 =	sne.s32 s2, $0x0  }
0x3b: {  	s3 =	rddreg [dreg:$0x2];
	[bflag:$0x3] =	sbarrier.arrive $0xFFFF;
	s2 =	simm.s32 @!p0 $0x1C03  }
0x3c: {  	[timem:s3], [sflag:s2] =	dma.local @!p0 [hbm:s0], s1  }
0x3d: {  	s0 =	simm.s32 @!p0 $0x3  }
0x3e: {  	_ =	swait.ge @!p0 [sflag:s0], s1  }
0x3f: {  	s1 =	ssub.s32 @!p0 $0x0, s1;
	[sflag:s0] =	ssyncset.done @!p0 $0x0  }
0x40: {  	[sflag:s0] =	ssyncadd.s32 @!p0 s1  }
0x41: {  	[bflag:$0x3] =	sbarrier.arrive $0xFFFF  }
0x42: {  	_ =	shalt  }

</sc_bundles>
